<compile_context>
chip_gen: v7x
topology: tpu7x:2x2x1
jax: 0.10.2.dev20260603
libtpu: 0.0.44.dev20260713+nightly
codegen_flags: <defaults>
</compile_context>

<pallas_src>
import functools

import jax
import jax.numpy as jnp
from jax import lax
from jax.experimental import pallas as pl
from jax.experimental.pallas import tpu as pltpu
from jax.experimental.pallas import tpu_sc as plsc


def kernel(style_ids, frame_ids, latents, latents_mu):
    S, F, D = latents.shape
    B = style_ids.shape[0]
    flat_table = latents.reshape(S * F, D)
    style_ids = style_ids.astype(jnp.int32)
    frame_ids = frame_ids.astype(jnp.int32)

    info = plsc.get_sparse_core_info()
    NC, NS, L = info.num_cores, info.num_subcores, info.num_lanes
    NW = NC * NS
    b_per_w = B // NW

    mesh = plsc.VectorSubcoreMesh(core_axis_name="c", subcore_axis_name="s")

    @functools.partial(
        pl.kernel,
        mesh=mesh,
        out_type=jax.ShapeDtypeStruct((B, D), jnp.float32),
        scratch_types=[
            pltpu.VMEM((b_per_w,), jnp.int32),
            pltpu.VMEM((b_per_w,), jnp.int32),
            pltpu.VMEM((160, D), jnp.float32),
            pltpu.VMEM((160, D), jnp.float32),
            pltpu.VMEM((128, D), jnp.float32),
            pltpu.VMEM((64, D), jnp.float32),
            pltpu.VMEM_SHARED((S, D), jnp.float32),
            pltpu.SemaphoreType.DMA,
            pltpu.SemaphoreType.DMA,
            pltpu.SemaphoreType.DMA,
            pltpu.SemaphoreType.DMA,
            pltpu.SemaphoreType.DMA,
        ],
    )
    def run(style_hbm, frame_hbm, table_hbm, mu_hbm, out_hbm,
            sty_v, idx_v, b0, b1, b2, b3, mu_sh, s0, s1, s2, s3, s_st):
        sid = lax.axis_index("s")
        wid = sid * NC + lax.axis_index("c")
        base = wid * b_per_w
        NQ = 4
        sizes = (160, 160, 128, 64)
        offs = (0, 160, 320, 448)
        bufs = (b0, b1, b2, b3)
        sems = (s0, s1, s2, s3)
        c_sty = pltpu.async_copy(style_hbm.at[pl.ds(base, b_per_w)], sty_v, s0)
        c_frm = pltpu.async_copy(frame_hbm.at[pl.ds(base, b_per_w)], idx_v, s1)

        n_stage = S // 5
        @pl.when(sid < 5)
        def _stage():
            pltpu.async_copy(mu_hbm.at[pl.ds(sid * n_stage, n_stage)],
                             mu_sh.at[pl.ds(sid * n_stage, n_stage)], s_st)

        c_sty.wait()
        c_frm.wait()

        def flats(q):
            def flat_body(i, _):
                sl = pl.ds(offs[q] + i * L, L)
                idx_v[sl] = sty_v[sl] * F + idx_v[sl]
                return 0
            lax.fori_loop(0, sizes[q] // L, flat_body, 0)

        def gather(q):
            return pltpu.async_copy(
                table_hbm.at[idx_v.at[pl.ds(offs[q], sizes[q])]], bufs[q],
                sems[q])

        def mu_add(q):
            return pltpu.async_copy(
                mu_sh.at[sty_v.at[pl.ds(offs[q], sizes[q])]], bufs[q],
                sems[q], add=True)

        def write(q):
            return pltpu.async_copy(
                bufs[q], out_hbm.at[pl.ds(base + offs[q], sizes[q])], sems[q])

        flats(0)
        gs = {0: gather(0)}
        flats(1)
        gs[1] = gather(1)
        for q in range(2, NQ):
            flats(q)

        @pl.when(sid < 5)
        def _stage_drain():
            pltpu.make_async_copy(
                mu_hbm.at[pl.ds(sid * n_stage, n_stage)],
                mu_sh.at[pl.ds(sid * n_stage, n_stage)], s_st).wait()

        plsc.subcore_barrier()
        adds = {}
        ws = {}
        for q in range(NQ):
            gs[q].wait()
            adds[q] = mu_add(q)
            if q + 2 < NQ:
                gs[q + 2] = gather(q + 2)
            adds[q].wait()
            ws[q] = write(q)
        for q in range(NQ):
            ws[q].wait()

    return run(style_ids, frame_ids, flat_table, latents_mu)

# --- scband reference (transcript-rebuilt; emitter-appended) ---
"""Pipeline reference for scband-learnable-latents-38543036514326 (READ-ONLY COPY).

The authoritative reference and input builder live on the scoring server;
editing this copy changes nothing except your own understanding.
"""

import jax, jax.numpy as jnp
import numpy as np

STYLE_NUM = 1000
FRAME_NUM = 200
LATENT_DIM = 128
BATCH = 16384
SIGMA_SCALE = 1.0


def setup_inputs(seed: int = 0) -> dict:
    key = jax.random.key(seed)
    k1, k2, k3, k4 = jax.random.split(key, 4)
    style_ids = jax.random.randint(k1, (BATCH,), 0, STYLE_NUM, dtype=jnp.int64 if jax.config.jax_enable_x64 else jnp.int32)
    frame_ids = jax.random.randint(k2, (BATCH,), 0, FRAME_NUM, dtype=jnp.int64 if jax.config.jax_enable_x64 else jnp.int32)
    latents = jax.random.normal(k3, (STYLE_NUM, FRAME_NUM, LATENT_DIM), dtype=jnp.float32)
    latents_mu = jax.random.normal(k4, (STYLE_NUM, LATENT_DIM), dtype=jnp.float32)
    return {"style_ids": style_ids, "frame_ids": frame_ids, "latents": latents, "latents_mu": latents_mu}


def reference(style_ids, frame_ids, latents, latents_mu):
    frame_num = latents.shape[1]
    latent_dim = latents.shape[2]
    flat_ids = style_ids * frame_num + frame_ids
    flat_table = latents.reshape(-1, latent_dim)
    frame_latents = jnp.take(flat_table, flat_ids, axis=0)
    mu = jnp.take(latents_mu, style_ids, axis=0)
    return frame_latents * SIGMA_SCALE + mu

if __name__ == "__main__":
    import jax
    _d = setup_inputs()
    print(jax.jit(kernel)(*tuple(_d.values())))

</pallas_src>

<mosaic_0001>
#map = affine_map<(d0, d1) -> (0)>
#map1 = affine_map<(d0, d1) -> (0, 0)>
module attributes {stable_mosaic.version = 14 : i64} {
  func.func @run(%arg0: i32, %arg1: i32, %arg2: memref<16384xi32, #tpu.memory_space<hbm>>, %arg3: memref<16384xi32, #tpu.memory_space<hbm>>, %arg4: memref<200000x128xf32, #tpu.memory_space<hbm>>, %arg5: memref<1000x128xf32, #tpu.memory_space<hbm>>, %arg6: memref<16384x128xf32, #tpu.memory_space<hbm>>, %arg7: memref<512xi32, #tpu.memory_space<vmem>>, %arg8: memref<512xi32, #tpu.memory_space<vmem>>, %arg9: memref<160x128xf32, #tpu.memory_space<vmem>>, %arg10: memref<160x128xf32, #tpu.memory_space<vmem>>, %arg11: memref<128x128xf32, #tpu.memory_space<vmem>>, %arg12: memref<64x128xf32, #tpu.memory_space<vmem>>, %arg13: memref<1000x128xf32, #tpu.memory_space<vmem_shared>>, %arg14: memref<!tpu.dma_semaphore, #tpu.memory_space<semaphore_mem>>, %arg15: memref<!tpu.dma_semaphore, #tpu.memory_space<semaphore_mem>>, %arg16: memref<!tpu.dma_semaphore, #tpu.memory_space<semaphore_mem>>, %arg17: memref<!tpu.dma_semaphore, #tpu.memory_space<semaphore_mem>>, %arg18: memref<!tpu.dma_semaphore, #tpu.memory_space<semaphore_mem>>) attributes {dimension_semantics = [#tpu.dimension_semantics<core_parallel>, #tpu.dimension_semantics<subcore_parallel>], iteration_bounds = array<i64: 2, 16>, scalar_prefetch = 0 : i64, scratch_operands = 12 : i64, tpu.core_type = #tpu.core_type<sc_vector_subcore>, window_params = [{transform_indices = #map}, {transform_indices = #map}, {transform_indices = #map1}, {transform_indices = #map1}, {transform_indices = #map1}]} {
    %mul3A = arith.constant 2 : i32
    %mul3A_0 = arith.muli %arg1, %mul3A : i32
    %add3A = arith.addi %mul3A_0, %arg0 : i32
    %mul3A_1 = arith.constant 512 : i32
    %mul3A_2 = arith.muli %add3A, %mul3A_1 : i32
    %dma_start3A = tpu.memref_slice %arg2[%mul3A_2] : memref<16384xi32, #tpu.memory_space<hbm>> -> memref<512xi32, #tpu.memory_space<hbm>>
    %dma_start3A_3 = tpu.memref_slice %arg2[%mul3A_2] : memref<16384xi32, #tpu.memory_space<hbm>> -> memref<512xi32, #tpu.memory_space<hbm>>
    tpu.enqueue_dma source(%dma_start3A_3 : memref<512xi32, #tpu.memory_space<hbm>>) target(%arg7 : memref<512xi32, #tpu.memory_space<vmem>>) target_semaphore(%arg14 : memref<!tpu.dma_semaphore, #tpu.memory_space<semaphore_mem>>)
    %dma_start3A_4 = tpu.memref_slice %arg3[%mul3A_2] : memref<16384xi32, #tpu.memory_space<hbm>> -> memref<512xi32, #tpu.memory_space<hbm>>
    %dma_start3A_5 = tpu.memref_slice %arg3[%mul3A_2] : memref<16384xi32, #tpu.memory_space<hbm>> -> memref<512xi32, #tpu.memory_space<hbm>>
    tpu.enqueue_dma source(%dma_start3A_5 : memref<512xi32, #tpu.memory_space<hbm>>) target(%arg8 : memref<512xi32, #tpu.memory_space<vmem>>) target_semaphore(%arg15 : memref<!tpu.dma_semaphore, #tpu.memory_space<semaphore_mem>>)
    %lt3A = arith.constant 5 : i32
    %lt3A_6 = arith.cmpi slt, %arg1, %lt3A : i32
    %convert_element_type3A = arith.extui %lt3A_6 : i1 to i32
    %cond3A = arith.constant 0 : i32
    %cond3A_7 = arith.cmpi ne, %convert_element_type3A, %cond3A : i32
    scf.if %cond3A_7 {
      %mul3A_163 = arith.constant 200 : i32
      %mul3A_164 = arith.muli %arg1, %mul3A_163 : i32
      %mul3A_165 = arith.constant 200 : i32
      %mul3A_166 = arith.muli %arg1, %mul3A_165 : i32
      %dma_start3A_167 = arith.constant 0 : i32
      %dma_start3A_168 = tpu.memref_slice %arg13[%mul3A_166, %dma_start3A_167] : memref<1000x128xf32, #tpu.memory_space<vmem_shared>> -> memref<200x128xf32, #tpu.memory_space<vmem_shared>>
      %dma_start3A_169 = arith.constant 0 : i32
      %dma_start3A_170 = tpu.memref_slice %arg5[%mul3A_164, %dma_start3A_169] : memref<1000x128xf32, #tpu.memory_space<hbm>> -> memref<200x128xf32, #tpu.memory_space<hbm>>
      tpu.enqueue_dma source(%dma_start3A_170 : memref<200x128xf32, #tpu.memory_space<hbm>>) target(%dma_start3A_168 : memref<200x128xf32, #tpu.memory_space<vmem_shared>>) target_semaphore(%arg18 : memref<!tpu.dma_semaphore, #tpu.memory_space<semaphore_mem>>)
    } else {
    }
    %dma_wait3A = tpu.memref_slice %arg2[%mul3A_2] : memref<16384xi32, #tpu.memory_space<hbm>> -> memref<512xi32, #tpu.memory_space<hbm>>
    %dma_wait3A_8 = tpu.memref_slice %arg2[%mul3A_2] : memref<16384xi32, #tpu.memory_space<hbm>> -> memref<512xi32, #tpu.memory_space<hbm>>
    tpu.wait_dma2 semaphore(%arg14 : memref<!tpu.dma_semaphore, #tpu.memory_space<semaphore_mem>>) src(%dma_wait3A_8 : memref<512xi32, #tpu.memory_space<hbm>>) dst(%arg7 : memref<512xi32, #tpu.memory_space<vmem>>)
    %dma_wait3A_9 = tpu.memref_slice %arg3[%mul3A_2] : memref<16384xi32, #tpu.memory_space<hbm>> -> memref<512xi32, #tpu.memory_space<hbm>>
    %dma_wait3A_10 = tpu.memref_slice %arg3[%mul3A_2] : memref<16384xi32, #tpu.memory_space<hbm>> -> memref<512xi32, #tpu.memory_space<hbm>>
    tpu.wait_dma2 semaphore(%arg15 : memref<!tpu.dma_semaphore, #tpu.memory_space<semaphore_mem>>) src(%dma_wait3A_10 : memref<512xi32, #tpu.memory_space<hbm>>) dst(%arg8 : memref<512xi32, #tpu.memory_space<vmem>>)
    %scan3A = arith.constant 0 : i32
    %scan3A_11 = arith.constant 0 : i32
    %scan3A_12 = arith.constant 10 : i32
    %scan3A_13 = arith.addi %scan3A_11, %scan3A_12 : i32
    %scan3A_14 = arith.constant 1 : i32
    %scan3A_15 = scf.for %scan3A_163 = %scan3A_11 to %scan3A_13 step %scan3A_14 iter_args(%scan3A_164 = %scan3A) -> (i32)  : i32 {
      %mul3A_165 = arith.constant 16 : i32
      %mul3A_166 = arith.muli %scan3A_163, %mul3A_165 : i32
      %add3A_167 = arith.constant 0 : i32
      %add3A_168 = arith.addi %add3A_167, %mul3A_166 : i32
      %get3A = arith.index_cast %add3A_168 : i32 to index
      %get3A_169 = tpu.vector_load %arg7[%get3A] {strides = array<i32>} : memref<512xi32, #tpu.memory_space<vmem>>, vector<16xi32>,
      %get3A_170 = vector.shape_cast %get3A_169 : vector<16xi32> to vector<16xi32>
      %mul3A_171 = arith.constant 200 : i32
      %mul3A_172 = vector.broadcast %mul3A_171 : i32 to vector<16xi32>
      %mul3A_173 = arith.muli %get3A_170, %mul3A_172 : vector<16xi32>
      %get3A_174 = arith.index_cast %add3A_168 : i32 to index
      %get3A_175 = tpu.vector_load %arg8[%get3A_174] {strides = array<i32>} : memref<512xi32, #tpu.memory_space<vmem>>, vector<16xi32>,
      %get3A_176 = vector.shape_cast %get3A_175 : vector<16xi32> to vector<16xi32>
      %add3A_177 = arith.addi %mul3A_173, %get3A_176 : vector<16xi32>
      %swap3A = arith.index_cast %add3A_168 : i32 to index
      %swap3A_178 = tpu.vector_load %arg8[%swap3A] {strides = array<i32>} : memref<512xi32, #tpu.memory_space<vmem>>, vector<16xi32>,
      %swap3A_179 = vector.shape_cast %swap3A_178 : vector<16xi32> to vector<16xi32>
      %swap3A_180 = vector.shape_cast %add3A_177 : vector<16xi32> to vector<16xi32>
      tpu.vector_store %arg8[%swap3A], %swap3A_180 {strides = array<i32>} : memref<512xi32, #tpu.memory_space<vmem>>, vector<16xi32>,
      %scan3A_181 = arith.constant 0 : i32
      scf.yield %scan3A_181 : i32
    }
    %scan3A_16 = arith.constant 10 : i32
    %dma_start3A_17 = arith.constant 0 : i32
    %dma_start3A_18 = tpu.memref_slice %arg8[%dma_start3A_17] : memref<512xi32, #tpu.memory_space<vmem>> -> memref<160xi32, #tpu.memory_space<vmem>>
    %dma_start3A_19 = arith.constant 0 : i32
    %dma_start3A_20 = arith.constant 0 : i32
    %dma_start3A_21 = tpu.memref_slice %arg4[%dma_start3A_19, %dma_start3A_20] : memref<200000x128xf32, #tpu.memory_space<hbm>> -> memref<200000x128xf32, #tpu.memory_space<hbm>>
    tpu.enqueue_indirect_dma source(%dma_start3A_21 : memref<200000x128xf32, #tpu.memory_space<hbm>>) target(%arg9 : memref<160x128xf32, #tpu.memory_space<vmem>>) offsets(%dma_start3A_18 : memref<160xi32, #tpu.memory_space<vmem>>) semaphore(%arg14 : memref<!tpu.dma_semaphore, #tpu.memory_space<semaphore_mem>>)
    %scan3A_22 = arith.constant 0 : i32
    %scan3A_23 = arith.constant 0 : i32
    %scan3A_24 = arith.constant 10 : i32
    %scan3A_25 = arith.addi %scan3A_23, %scan3A_24 : i32
    %scan3A_26 = arith.constant 1 : i32
    %scan3A_27 = scf.for %scan3A_163 = %scan3A_23 to %scan3A_25 step %scan3A_26 iter_args(%scan3A_164 = %scan3A_22) -> (i32)  : i32 {
      %mul3A_165 = arith.constant 16 : i32
      %mul3A_166 = arith.muli %scan3A_163, %mul3A_165 : i32
      %add3A_167 = arith.constant 160 : i32
      %add3A_168 = arith.addi %add3A_167, %mul3A_166 : i32
      %get3A = arith.index_cast %add3A_168 : i32 to index
      %get3A_169 = tpu.vector_load %arg7[%get3A] {strides = array<i32>} : memref<512xi32, #tpu.memory_space<vmem>>, vector<16xi32>,
      %get3A_170 = vector.shape_cast %get3A_169 : vector<16xi32> to vector<16xi32>
      %mul3A_171 = arith.constant 200 : i32
      %mul3A_172 = vector.broadcast %mul3A_171 : i32 to vector<16xi32>
      %mul3A_173 = arith.muli %get3A_170, %mul3A_172 : vector<16xi32>
      %get3A_174 = arith.index_cast %add3A_168 : i32 to index
      %get3A_175 = tpu.vector_load %arg8[%get3A_174] {strides = array<i32>} : memref<512xi32, #tpu.memory_space<vmem>>, vector<16xi32>,
      %get3A_176 = vector.shape_cast %get3A_175 : vector<16xi32> to vector<16xi32>
      %add3A_177 = arith.addi %mul3A_173, %get3A_176 : vector<16xi32>
      %swap3A = arith.index_cast %add3A_168 : i32 to index
      %swap3A_178 = tpu.vector_load %arg8[%swap3A] {strides = array<i32>} : memref<512xi32, #tpu.memory_space<vmem>>, vector<16xi32>,
      %swap3A_179 = vector.shape_cast %swap3A_178 : vector<16xi32> to vector<16xi32>
      %swap3A_180 = vector.shape_cast %add3A_177 : vector<16xi32> to vector<16xi32>
      tpu.vector_store %arg8[%swap3A], %swap3A_180 {strides = array<i32>} : memref<512xi32, #tpu.memory_space<vmem>>, vector<16xi32>,
      %scan3A_181 = arith.constant 0 : i32
      scf.yield %scan3A_181 : i32
    }
    %scan3A_28 = arith.constant 10 : i32
    %dma_start3A_29 = arith.constant 160 : i32
    %dma_start3A_30 = tpu.memref_slice %arg8[%dma_start3A_29] : memref<512xi32, #tpu.memory_space<vmem>> -> memref<160xi32, #tpu.memory_space<vmem>>
    %dma_start3A_31 = arith.constant 0 : i32
    %dma_start3A_32 = arith.constant 0 : i32
    %dma_start3A_33 = tpu.memref_slice %arg4[%dma_start3A_31, %dma_start3A_32] : memref<200000x128xf32, #tpu.memory_space<hbm>> -> memref<200000x128xf32, #tpu.memory_space<hbm>>
    tpu.enqueue_indirect_dma source(%dma_start3A_33 : memref<200000x128xf32, #tpu.memory_space<hbm>>) target(%arg10 : memref<160x128xf32, #tpu.memory_space<vmem>>) offsets(%dma_start3A_30 : memref<160xi32, #tpu.memory_space<vmem>>) semaphore(%arg15 : memref<!tpu.dma_semaphore, #tpu.memory_space<semaphore_mem>>)
    %scan3A_34 = arith.constant 0 : i32
    %scan3A_35 = arith.constant 0 : i32
    %scan3A_36 = arith.constant 8 : i32
    %scan3A_37 = arith.addi %scan3A_35, %scan3A_36 : i32
    %scan3A_38 = arith.constant 1 : i32
    %scan3A_39 = scf.for %scan3A_163 = %scan3A_35 to %scan3A_37 step %scan3A_38 iter_args(%scan3A_164 = %scan3A_34) -> (i32)  : i32 {
      %mul3A_165 = arith.constant 16 : i32
      %mul3A_166 = arith.muli %scan3A_163, %mul3A_165 : i32
      %add3A_167 = arith.constant 320 : i32
      %add3A_168 = arith.addi %add3A_167, %mul3A_166 : i32
      %get3A = arith.index_cast %add3A_168 : i32 to index
      %get3A_169 = tpu.vector_load %arg7[%get3A] {strides = array<i32>} : memref<512xi32, #tpu.memory_space<vmem>>, vector<16xi32>,
      %get3A_170 = vector.shape_cast %get3A_169 : vector<16xi32> to vector<16xi32>
      %mul3A_171 = arith.constant 200 : i32
      %mul3A_172 = vector.broadcast %mul3A_171 : i32 to vector<16xi32>
      %mul3A_173 = arith.muli %get3A_170, %mul3A_172 : vector<16xi32>
      %get3A_174 = arith.index_cast %add3A_168 : i32 to index
      %get3A_175 = tpu.vector_load %arg8[%get3A_174] {strides = array<i32>} : memref<512xi32, #tpu.memory_space<vmem>>, vector<16xi32>,
      %get3A_176 = vector.shape_cast %get3A_175 : vector<16xi32> to vector<16xi32>
      %add3A_177 = arith.addi %mul3A_173, %get3A_176 : vector<16xi32>
      %swap3A = arith.index_cast %add3A_168 : i32 to index
      %swap3A_178 = tpu.vector_load %arg8[%swap3A] {strides = array<i32>} : memref<512xi32, #tpu.memory_space<vmem>>, vector<16xi32>,
      %swap3A_179 = vector.shape_cast %swap3A_178 : vector<16xi32> to vector<16xi32>
      %swap3A_180 = vector.shape_cast %add3A_177 : vector<16xi32> to vector<16xi32>
      tpu.vector_store %arg8[%swap3A], %swap3A_180 {strides = array<i32>} : memref<512xi32, #tpu.memory_space<vmem>>, vector<16xi32>,
      %scan3A_181 = arith.constant 0 : i32
      scf.yield %scan3A_181 : i32
    }
    %scan3A_40 = arith.constant 8 : i32
    %scan3A_41 = arith.constant 0 : i32
    %scan3A_42 = arith.constant 0 : i32
    %scan3A_43 = arith.constant 4 : i32
    %scan3A_44 = arith.addi %scan3A_42, %scan3A_43 : i32
    %scan3A_45 = arith.constant 1 : i32
    %scan3A_46 = scf.for %scan3A_163 = %scan3A_42 to %scan3A_44 step %scan3A_45 iter_args(%scan3A_164 = %scan3A_41) -> (i32)  : i32 {
      %mul3A_165 = arith.constant 16 : i32
      %mul3A_166 = arith.muli %scan3A_163, %mul3A_165 : i32
      %add3A_167 = arith.constant 448 : i32
      %add3A_168 = arith.addi %add3A_167, %mul3A_166 : i32
      %get3A = arith.index_cast %add3A_168 : i32 to index
      %get3A_169 = tpu.vector_load %arg7[%get3A] {strides = array<i32>} : memref<512xi32, #tpu.memory_space<vmem>>, vector<16xi32>,
      %get3A_170 = vector.shape_cast %get3A_169 : vector<16xi32> to vector<16xi32>
      %mul3A_171 = arith.constant 200 : i32
      %mul3A_172 = vector.broadcast %mul3A_171 : i32 to vector<16xi32>
      %mul3A_173 = arith.muli %get3A_170, %mul3A_172 : vector<16xi32>
      %get3A_174 = arith.index_cast %add3A_168 : i32 to index
      %get3A_175 = tpu.vector_load %arg8[%get3A_174] {strides = array<i32>} : memref<512xi32, #tpu.memory_space<vmem>>, vector<16xi32>,
      %get3A_176 = vector.shape_cast %get3A_175 : vector<16xi32> to vector<16xi32>
      %add3A_177 = arith.addi %mul3A_173, %get3A_176 : vector<16xi32>
      %swap3A = arith.index_cast %add3A_168 : i32 to index
      %swap3A_178 = tpu.vector_load %arg8[%swap3A] {strides = array<i32>} : memref<512xi32, #tpu.memory_space<vmem>>, vector<16xi32>,
      %swap3A_179 = vector.shape_cast %swap3A_178 : vector<16xi32> to vector<16xi32>
      %swap3A_180 = vector.shape_cast %add3A_177 : vector<16xi32> to vector<16xi32>
      tpu.vector_store %arg8[%swap3A], %swap3A_180 {strides = array<i32>} : memref<512xi32, #tpu.memory_space<vmem>>, vector<16xi32>,
      %scan3A_181 = arith.constant 0 : i32
      scf.yield %scan3A_181 : i32
    }
    %scan3A_47 = arith.constant 4 : i32
    %lt3A_48 = arith.constant 5 : i32
    %lt3A_49 = arith.cmpi slt, %arg1, %lt3A_48 : i32
    %convert_element_type3A_50 = arith.extui %lt3A_49 : i1 to i32
    %cond3A_51 = arith.constant 0 : i32
    %cond3A_52 = arith.cmpi ne, %convert_element_type3A_50, %cond3A_51 : i32
    scf.if %cond3A_52 {
      %mul3A_163 = arith.constant 200 : i32
      %mul3A_164 = arith.muli %arg1, %mul3A_163 : i32
      %mul3A_165 = arith.constant 200 : i32
      %mul3A_166 = arith.muli %arg1, %mul3A_165 : i32
      %dma_wait3A_167 = arith.constant 0 : i32
      %dma_wait3A_168 = tpu.memref_slice %arg13[%mul3A_166, %dma_wait3A_167] : memref<1000x128xf32, #tpu.memory_space<vmem_shared>> -> memref<200x128xf32, #tpu.memory_space<vmem_shared>>
      %dma_wait3A_169 = arith.constant 0 : i32
      %dma_wait3A_170 = tpu.memref_slice %arg5[%mul3A_164, %dma_wait3A_169] : memref<1000x128xf32, #tpu.memory_space<hbm>> -> memref<200x128xf32, #tpu.memory_space<hbm>>
      tpu.wait_dma2 semaphore(%arg18 : memref<!tpu.dma_semaphore, #tpu.memory_space<semaphore_mem>>) src(%dma_wait3A_170 : memref<200x128xf32, #tpu.memory_space<hbm>>) dst(%dma_wait3A_168 : memref<200x128xf32, #tpu.memory_space<vmem_shared>>)
    } else {
    }
    %barrier3A = arith.constant 0 : index
    tpu.barrier barrier_id(%barrier3A)
    %dma_wait3A_53 = arith.constant 0 : i32
    %dma_wait3A_54 = tpu.memref_slice %arg8[%dma_wait3A_53] : memref<512xi32, #tpu.memory_space<vmem>> -> memref<160xi32, #tpu.memory_space<vmem>>
    %dma_wait3A_55 = arith.constant 0 : i32
    %dma_wait3A_56 = arith.constant 0 : i32
    %dma_wait3A_57 = tpu.memref_slice %arg4[%dma_wait3A_55, %dma_wait3A_56] : memref<200000x128xf32, #tpu.memory_space<hbm>> -> memref<200000x128xf32, #tpu.memory_space<hbm>>
    tpu.wait_indirect_dma semaphore(%arg14 : memref<!tpu.dma_semaphore, #tpu.memory_space<semaphore_mem>>) src(%dma_wait3A_57 : memref<200000x128xf32, #tpu.memory_space<hbm>>) dst(%arg9 : memref<160x128xf32, #tpu.memory_space<vmem>>)
    %dma_start3A_58 = arith.constant 0 : i32
    %dma_start3A_59 = tpu.memref_slice %arg7[%dma_start3A_58] : memref<512xi32, #tpu.memory_space<vmem>> -> memref<160xi32, #tpu.memory_space<vmem>>
    %dma_start3A_60 = arith.constant 0 : i32
    %dma_start3A_61 = arith.constant 0 : i32
    %dma_start3A_62 = tpu.memref_slice %arg13[%dma_start3A_60, %dma_start3A_61] : memref<1000x128xf32, #tpu.memory_space<vmem_shared>> -> memref<1000x128xf32, #tpu.memory_space<vmem_shared>>
    tpu.enqueue_indirect_dma source(%dma_start3A_62 : memref<1000x128xf32, #tpu.memory_space<vmem_shared>>) target(%arg9 : memref<160x128xf32, #tpu.memory_space<vmem>>) offsets(%dma_start3A_59 : memref<160xi32, #tpu.memory_space<vmem>>) semaphore(%arg14 : memref<!tpu.dma_semaphore, #tpu.memory_space<semaphore_mem>>) {add = true}
    %dma_start3A_63 = arith.constant 320 : i32
    %dma_start3A_64 = tpu.memref_slice %arg8[%dma_start3A_63] : memref<512xi32, #tpu.memory_space<vmem>> -> memref<128xi32, #tpu.memory_space<vmem>>
    %dma_start3A_65 = arith.constant 0 : i32
    %dma_start3A_66 = arith.constant 0 : i32
    %dma_start3A_67 = tpu.memref_slice %arg4[%dma_start3A_65, %dma_start3A_66] : memref<200000x128xf32, #tpu.memory_space<hbm>> -> memref<200000x128xf32, #tpu.memory_space<hbm>>
    tpu.enqueue_indirect_dma source(%dma_start3A_67 : memref<200000x128xf32, #tpu.memory_space<hbm>>) target(%arg11 : memref<128x128xf32, #tpu.memory_space<vmem>>) offsets(%dma_start3A_64 : memref<128xi32, #tpu.memory_space<vmem>>) semaphore(%arg16 : memref<!tpu.dma_semaphore, #tpu.memory_space<semaphore_mem>>)
    %dma_wait3A_68 = arith.constant 0 : i32
    %dma_wait3A_69 = tpu.memref_slice %arg7[%dma_wait3A_68] : memref<512xi32, #tpu.memory_space<vmem>> -> memref<160xi32, #tpu.memory_space<vmem>>
    %dma_wait3A_70 = arith.constant 0 : i32
    %dma_wait3A_71 = arith.constant 0 : i32
    %dma_wait3A_72 = tpu.memref_slice %arg13[%dma_wait3A_70, %dma_wait3A_71] : memref<1000x128xf32, #tpu.memory_space<vmem_shared>> -> memref<1000x128xf32, #tpu.memory_space<vmem_shared>>
    tpu.wait_indirect_dma semaphore(%arg14 : memref<!tpu.dma_semaphore, #tpu.memory_space<semaphore_mem>>) src(%dma_wait3A_72 : memref<1000x128xf32, #tpu.memory_space<vmem_shared>>) dst(%arg9 : memref<160x128xf32, #tpu.memory_space<vmem>>)
    %add3A_73 = arith.constant 0 : i32
    %add3A_74 = arith.addi %mul3A_2, %add3A_73 : i32
    %dma_start3A_75 = arith.constant 0 : i32
    %dma_start3A_76 = tpu.memref_slice %arg6[%add3A_74, %dma_start3A_75] : memref<16384x128xf32, #tpu.memory_space<hbm>> -> memref<160x128xf32, #tpu.memory_space<hbm>>
    %dma_start3A_77 = arith.constant 0 : i32
    %dma_start3A_78 = tpu.memref_slice %arg6[%add3A_74, %dma_start3A_77] : memref<16384x128xf32, #tpu.memory_space<hbm>> -> memref<160x128xf32, #tpu.memory_space<hbm>>
    tpu.enqueue_dma source(%arg9 : memref<160x128xf32, #tpu.memory_space<vmem>>) target(%dma_start3A_78 : memref<160x128xf32, #tpu.memory_space<hbm>>) target_semaphore(%arg14 : memref<!tpu.dma_semaphore, #tpu.memory_space<semaphore_mem>>)
    %dma_wait3A_79 = arith.constant 160 : i32
    %dma_wait3A_80 = tpu.memref_slice %arg8[%dma_wait3A_79] : memref<512xi32, #tpu.memory_space<vmem>> -> memref<160xi32, #tpu.memory_space<vmem>>
    %dma_wait3A_81 = arith.constant 0 : i32
    %dma_wait3A_82 = arith.constant 0 : i32
    %dma_wait3A_83 = tpu.memref_slice %arg4[%dma_wait3A_81, %dma_wait3A_82] : memref<200000x128xf32, #tpu.memory_space<hbm>> -> memref<200000x128xf32, #tpu.memory_space<hbm>>
    tpu.wait_indirect_dma semaphore(%arg15 : memref<!tpu.dma_semaphore, #tpu.memory_space<semaphore_mem>>) src(%dma_wait3A_83 : memref<200000x128xf32, #tpu.memory_space<hbm>>) dst(%arg10 : memref<160x128xf32, #tpu.memory_space<vmem>>)
    %dma_start3A_84 = arith.constant 160 : i32
    %dma_start3A_85 = tpu.memref_slice %arg7[%dma_start3A_84] : memref<512xi32, #tpu.memory_space<vmem>> -> memref<160xi32, #tpu.memory_space<vmem>>
    %dma_start3A_86 = arith.constant 0 : i32
    %dma_start3A_87 = arith.constant 0 : i32
    %dma_start3A_88 = tpu.memref_slice %arg13[%dma_start3A_86, %dma_start3A_87] : memref<1000x128xf32, #tpu.memory_space<vmem_shared>> -> memref<1000x128xf32, #tpu.memory_space<vmem_shared>>
    tpu.enqueue_indirect_dma source(%dma_start3A_88 : memref<1000x128xf32, #tpu.memory_space<vmem_shared>>) target(%arg10 : memref<160x128xf32, #tpu.memory_space<vmem>>) offsets(%dma_start3A_85 : memref<160xi32, #tpu.memory_space<vmem>>) semaphore(%arg15 : memref<!tpu.dma_semaphore, #tpu.memory_space<semaphore_mem>>) {add = true}
    %dma_start3A_89 = arith.constant 448 : i32
    %dma_start3A_90 = tpu.memref_slice %arg8[%dma_start3A_89] : memref<512xi32, #tpu.memory_space<vmem>> -> memref<64xi32, #tpu.memory_space<vmem>>
    %dma_start3A_91 = arith.constant 0 : i32
    %dma_start3A_92 = arith.constant 0 : i32
    %dma_start3A_93 = tpu.memref_slice %arg4[%dma_start3A_91, %dma_start3A_92] : memref<200000x128xf32, #tpu.memory_space<hbm>> -> memref<200000x128xf32, #tpu.memory_space<hbm>>
    tpu.enqueue_indirect_dma source(%dma_start3A_93 : memref<200000x128xf32, #tpu.memory_space<hbm>>) target(%arg12 : memref<64x128xf32, #tpu.memory_space<vmem>>) offsets(%dma_start3A_90 : memref<64xi32, #tpu.memory_space<vmem>>) semaphore(%arg17 : memref<!tpu.dma_semaphore, #tpu.memory_space<semaphore_mem>>)
    %dma_wait3A_94 = arith.constant 160 : i32
    %dma_wait3A_95 = tpu.memref_slice %arg7[%dma_wait3A_94] : memref<512xi32, #tpu.memory_space<vmem>> -> memref<160xi32, #tpu.memory_space<vmem>>
    %dma_wait3A_96 = arith.constant 0 : i32
    %dma_wait3A_97 = arith.constant 0 : i32
    %dma_wait3A_98 = tpu.memref_slice %arg13[%dma_wait3A_96, %dma_wait3A_97] : memref<1000x128xf32, #tpu.memory_space<vmem_shared>> -> memref<1000x128xf32, #tpu.memory_space<vmem_shared>>
    tpu.wait_indirect_dma semaphore(%arg15 : memref<!tpu.dma_semaphore, #tpu.memory_space<semaphore_mem>>) src(%dma_wait3A_98 : memref<1000x128xf32, #tpu.memory_space<vmem_shared>>) dst(%arg10 : memref<160x128xf32, #tpu.memory_space<vmem>>)
    %add3A_99 = arith.constant 160 : i32
    %add3A_100 = arith.addi %mul3A_2, %add3A_99 : i32
    %dma_start3A_101 = arith.constant 0 : i32
    %dma_start3A_102 = tpu.memref_slice %arg6[%add3A_100, %dma_start3A_101] : memref<16384x128xf32, #tpu.memory_space<hbm>> -> memref<160x128xf32, #tpu.memory_space<hbm>>
    %dma_start3A_103 = arith.constant 0 : i32
    %dma_start3A_104 = tpu.memref_slice %arg6[%add3A_100, %dma_start3A_103] : memref<16384x128xf32, #tpu.memory_space<hbm>> -> memref<160x128xf32, #tpu.memory_space<hbm>>
    tpu.enqueue_dma source(%arg10 : memref<160x128xf32, #tpu.memory_space<vmem>>) target(%dma_start3A_104 : memref<160x128xf32, #tpu.memory_space<hbm>>) target_semaphore(%arg15 : memref<!tpu.dma_semaphore, #tpu.memory_space<semaphore_mem>>)
    %dma_wait3A_105 = arith.constant 320 : i32
    %dma_wait3A_106 = tpu.memref_slice %arg8[%dma_wait3A_105] : memref<512xi32, #tpu.memory_space<vmem>> -> memref<128xi32, #tpu.memory_space<vmem>>
    %dma_wait3A_107 = arith.constant 0 : i32
    %dma_wait3A_108 = arith.constant 0 : i32
    %dma_wait3A_109 = tpu.memref_slice %arg4[%dma_wait3A_107, %dma_wait3A_108] : memref<200000x128xf32, #tpu.memory_space<hbm>> -> memref<200000x128xf32, #tpu.memory_space<hbm>>
    tpu.wait_indirect_dma semaphore(%arg16 : memref<!tpu.dma_semaphore, #tpu.memory_space<semaphore_mem>>) src(%dma_wait3A_109 : memref<200000x128xf32, #tpu.memory_space<hbm>>) dst(%arg11 : memref<128x128xf32, #tpu.memory_space<vmem>>)
    %dma_start3A_110 = arith.constant 320 : i32
    %dma_start3A_111 = tpu.memref_slice %arg7[%dma_start3A_110] : memref<512xi32, #tpu.memory_space<vmem>> -> memref<128xi32, #tpu.memory_space<vmem>>
    %dma_start3A_112 = arith.constant 0 : i32
    %dma_start3A_113 = arith.constant 0 : i32
    %dma_start3A_114 = tpu.memref_slice %arg13[%dma_start3A_112, %dma_start3A_113] : memref<1000x128xf32, #tpu.memory_space<vmem_shared>> -> memref<1000x128xf32, #tpu.memory_space<vmem_shared>>
    tpu.enqueue_indirect_dma source(%dma_start3A_114 : memref<1000x128xf32, #tpu.memory_space<vmem_shared>>) target(%arg11 : memref<128x128xf32, #tpu.memory_space<vmem>>) offsets(%dma_start3A_111 : memref<128xi32, #tpu.memory_space<vmem>>) semaphore(%arg16 : memref<!tpu.dma_semaphore, #tpu.memory_space<semaphore_mem>>) {add = true}
    %dma_wait3A_115 = arith.constant 320 : i32
    %dma_wait3A_116 = tpu.memref_slice %arg7[%dma_wait3A_115] : memref<512xi32, #tpu.memory_space<vmem>> -> memref<128xi32, #tpu.memory_space<vmem>>
    %dma_wait3A_117 = arith.constant 0 : i32
    %dma_wait3A_118 = arith.constant 0 : i32
    %dma_wait3A_119 = tpu.memref_slice %arg13[%dma_wait3A_117, %dma_wait3A_118] : memref<1000x128xf32, #tpu.memory_space<vmem_shared>> -> memref<1000x128xf32, #tpu.memory_space<vmem_shared>>
    tpu.wait_indirect_dma semaphore(%arg16 : memref<!tpu.dma_semaphore, #tpu.memory_space<semaphore_mem>>) src(%dma_wait3A_119 : memref<1000x128xf32, #tpu.memory_space<vmem_shared>>) dst(%arg11 : memref<128x128xf32, #tpu.memory_space<vmem>>)
    %add3A_120 = arith.constant 320 : i32
    %add3A_121 = arith.addi %mul3A_2, %add3A_120 : i32
    %dma_start3A_122 = arith.constant 0 : i32
    %dma_start3A_123 = tpu.memref_slice %arg6[%add3A_121, %dma_start3A_122] : memref<16384x128xf32, #tpu.memory_space<hbm>> -> memref<128x128xf32, #tpu.memory_space<hbm>>
    %dma_start3A_124 = arith.constant 0 : i32
    %dma_start3A_125 = tpu.memref_slice %arg6[%add3A_121, %dma_start3A_124] : memref<16384x128xf32, #tpu.memory_space<hbm>> -> memref<128x128xf32, #tpu.memory_space<hbm>>
    tpu.enqueue_dma source(%arg11 : memref<128x128xf32, #tpu.memory_space<vmem>>) target(%dma_start3A_125 : memref<128x128xf32, #tpu.memory_space<hbm>>) target_semaphore(%arg16 : memref<!tpu.dma_semaphore, #tpu.memory_space<semaphore_mem>>)
    %dma_wait3A_126 = arith.constant 448 : i32
    %dma_wait3A_127 = tpu.memref_slice %arg8[%dma_wait3A_126] : memref<512xi32, #tpu.memory_space<vmem>> -> memref<64xi32, #tpu.memory_space<vmem>>
    %dma_wait3A_128 = arith.constant 0 : i32
    %dma_wait3A_129 = arith.constant 0 : i32
    %dma_wait3A_130 = tpu.memref_slice %arg4[%dma_wait3A_128, %dma_wait3A_129] : memref<200000x128xf32, #tpu.memory_space<hbm>> -> memref<200000x128xf32, #tpu.memory_space<hbm>>
    tpu.wait_indirect_dma semaphore(%arg17 : memref<!tpu.dma_semaphore, #tpu.memory_space<semaphore_mem>>) src(%dma_wait3A_130 : memref<200000x128xf32, #tpu.memory_space<hbm>>) dst(%arg12 : memref<64x128xf32, #tpu.memory_space<vmem>>)
    %dma_start3A_131 = arith.constant 448 : i32
    %dma_start3A_132 = tpu.memref_slice %arg7[%dma_start3A_131] : memref<512xi32, #tpu.memory_space<vmem>> -> memref<64xi32, #tpu.memory_space<vmem>>
    %dma_start3A_133 = arith.constant 0 : i32
    %dma_start3A_134 = arith.constant 0 : i32
    %dma_start3A_135 = tpu.memref_slice %arg13[%dma_start3A_133, %dma_start3A_134] : memref<1000x128xf32, #tpu.memory_space<vmem_shared>> -> memref<1000x128xf32, #tpu.memory_space<vmem_shared>>
    tpu.enqueue_indirect_dma source(%dma_start3A_135 : memref<1000x128xf32, #tpu.memory_space<vmem_shared>>) target(%arg12 : memref<64x128xf32, #tpu.memory_space<vmem>>) offsets(%dma_start3A_132 : memref<64xi32, #tpu.memory_space<vmem>>) semaphore(%arg17 : memref<!tpu.dma_semaphore, #tpu.memory_space<semaphore_mem>>) {add = true}
    %dma_wait3A_136 = arith.constant 448 : i32
    %dma_wait3A_137 = tpu.memref_slice %arg7[%dma_wait3A_136] : memref<512xi32, #tpu.memory_space<vmem>> -> memref<64xi32, #tpu.memory_space<vmem>>
    %dma_wait3A_138 = arith.constant 0 : i32
    %dma_wait3A_139 = arith.constant 0 : i32
    %dma_wait3A_140 = tpu.memref_slice %arg13[%dma_wait3A_138, %dma_wait3A_139] : memref<1000x128xf32, #tpu.memory_space<vmem_shared>> -> memref<1000x128xf32, #tpu.memory_space<vmem_shared>>
    tpu.wait_indirect_dma semaphore(%arg17 : memref<!tpu.dma_semaphore, #tpu.memory_space<semaphore_mem>>) src(%dma_wait3A_140 : memref<1000x128xf32, #tpu.memory_space<vmem_shared>>) dst(%arg12 : memref<64x128xf32, #tpu.memory_space<vmem>>)
    %add3A_141 = arith.constant 448 : i32
    %add3A_142 = arith.addi %mul3A_2, %add3A_141 : i32
    %dma_start3A_143 = arith.constant 0 : i32
    %dma_start3A_144 = tpu.memref_slice %arg6[%add3A_142, %dma_start3A_143] : memref<16384x128xf32, #tpu.memory_space<hbm>> -> memref<64x128xf32, #tpu.memory_space<hbm>>
    %dma_start3A_145 = arith.constant 0 : i32
    %dma_start3A_146 = tpu.memref_slice %arg6[%add3A_142, %dma_start3A_145] : memref<16384x128xf32, #tpu.memory_space<hbm>> -> memref<64x128xf32, #tpu.memory_space<hbm>>
    tpu.enqueue_dma source(%arg12 : memref<64x128xf32, #tpu.memory_space<vmem>>) target(%dma_start3A_146 : memref<64x128xf32, #tpu.memory_space<hbm>>) target_semaphore(%arg17 : memref<!tpu.dma_semaphore, #tpu.memory_space<semaphore_mem>>)
    %dma_wait3A_147 = arith.constant 0 : i32
    %dma_wait3A_148 = tpu.memref_slice %arg6[%add3A_74, %dma_wait3A_147] : memref<16384x128xf32, #tpu.memory_space<hbm>> -> memref<160x128xf32, #tpu.memory_space<hbm>>
    %dma_wait3A_149 = arith.constant 0 : i32
    %dma_wait3A_150 = tpu.memref_slice %arg6[%add3A_74, %dma_wait3A_149] : memref<16384x128xf32, #tpu.memory_space<hbm>> -> memref<160x128xf32, #tpu.memory_space<hbm>>
    tpu.wait_dma2 semaphore(%arg14 : memref<!tpu.dma_semaphore, #tpu.memory_space<semaphore_mem>>) src(%arg9 : memref<160x128xf32, #tpu.memory_space<vmem>>) dst(%dma_wait3A_150 : memref<160x128xf32, #tpu.memory_space<hbm>>)
    %dma_wait3A_151 = arith.constant 0 : i32
    %dma_wait3A_152 = tpu.memref_slice %arg6[%add3A_100, %dma_wait3A_151] : memref<16384x128xf32, #tpu.memory_space<hbm>> -> memref<160x128xf32, #tpu.memory_space<hbm>>
    %dma_wait3A_153 = arith.constant 0 : i32
    %dma_wait3A_154 = tpu.memref_slice %arg6[%add3A_100, %dma_wait3A_153] : memref<16384x128xf32, #tpu.memory_space<hbm>> -> memref<160x128xf32, #tpu.memory_space<hbm>>
    tpu.wait_dma2 semaphore(%arg15 : memref<!tpu.dma_semaphore, #tpu.memory_space<semaphore_mem>>) src(%arg10 : memref<160x128xf32, #tpu.memory_space<vmem>>) dst(%dma_wait3A_154 : memref<160x128xf32, #tpu.memory_space<hbm>>)
    %dma_wait3A_155 = arith.constant 0 : i32
    %dma_wait3A_156 = tpu.memref_slice %arg6[%add3A_121, %dma_wait3A_155] : memref<16384x128xf32, #tpu.memory_space<hbm>> -> memref<128x128xf32, #tpu.memory_space<hbm>>
    %dma_wait3A_157 = arith.constant 0 : i32
    %dma_wait3A_158 = tpu.memref_slice %arg6[%add3A_121, %dma_wait3A_157] : memref<16384x128xf32, #tpu.memory_space<hbm>> -> memref<128x128xf32, #tpu.memory_space<hbm>>
    tpu.wait_dma2 semaphore(%arg16 : memref<!tpu.dma_semaphore, #tpu.memory_space<semaphore_mem>>) src(%arg11 : memref<128x128xf32, #tpu.memory_space<vmem>>) dst(%dma_wait3A_158 : memref<128x128xf32, #tpu.memory_space<hbm>>)
    %dma_wait3A_159 = arith.constant 0 : i32
    %dma_wait3A_160 = tpu.memref_slice %arg6[%add3A_142, %dma_wait3A_159] : memref<16384x128xf32, #tpu.memory_space<hbm>> -> memref<64x128xf32, #tpu.memory_space<hbm>>
    %dma_wait3A_161 = arith.constant 0 : i32
    %dma_wait3A_162 = tpu.memref_slice %arg6[%add3A_142, %dma_wait3A_161] : memref<16384x128xf32, #tpu.memory_space<hbm>> -> memref<64x128xf32, #tpu.memory_space<hbm>>
    tpu.wait_dma2 semaphore(%arg17 : memref<!tpu.dma_semaphore, #tpu.memory_space<semaphore_mem>>) src(%arg12 : memref<64x128xf32, #tpu.memory_space<vmem>>) dst(%dma_wait3A_162 : memref<64x128xf32, #tpu.memory_space<hbm>>)
    return
  }
}

</mosaic_0001>

<sc_bundles>
// kernel: kernel.3.cloned.1.call-start
scs
__scs_entry_jumppad:
0x0: {  	(pc) =	sbr.rel $0x88, $3  }
0x1: {  	(tag) =	ssettag $0x0;
	lr =	simm.s32 $0x1  }
0x2: {  	[smem:$0x3F9D] =	sst lr;
	_ =	strace $0xD0000000  }
0x3: {  	_ = 	snop  }
0x4: {  	_ = 	snop  }
0x5: {  	_ = 	snop  }
0x6: {  	_ = 	snop  }
0x7: {  	_ = 	snop  }
__scs_overlays_trampoline_lowered:
0x8: {  	[smem:$0x3FAC] =	sst s0  }
0x9: {  	[smem:$0x3FAD] =	sst s1  }
0xa: {  	[smem:$0x3FAE] =	sst s2  }
0xb: {  	[smem:$0x3FAF] =	sst s3  }
0xc: {  	[smem:$0x3FB0] =	sst s4  }
0xd: {  	[smem:$0x3FB1] =	sst s5  }
0xe: {  	[smem:$0x3FB2] =	sst s6  }
0xf: {  	[smem:$0x3FB3] =	sst s7  }
0x10: {  	[smem:$0x3FB4] =	sst s8  }
0x11: {  	[smem:$0x3FB5] =	sst s9;
	s0 =	simm.s32 @!p0 $0x0  }
0x12: {  	s1 =	sld [smem:$0x3F9B];
	s0 =	simm.s32 @p0 $0x1  }
0x13: {  	[smem:$0x3FB6] =	sst s0;
	s0 =	simm.s32 @!p1 $0x0  }
0x14: {  	s2 =	sld [smem:$0x3F9A];
	s0 =	simm.s32 @p1 $0x1  }
0x15: {  	[smem:$0x3FB7] =	sst s0;
	s0 =	simm.s32 @!p2 $0x0  }
0x16: {  	s3 =	sld [smem:$0x3FDB];
	s0 =	simm.s32 @p2 $0x1  }
0x17: {  	s4 =	simm.s32 $0x1BF5;
	[smem:$0x3FB9] =	sst s0  }
0x18: {  	s0 =	sld [smem:$0x3F9C];
	_ =	swait.ge [sflag:s4], $0x0  }
0x19: {  	s7 =	sld [smem:$0x3F9D]  }
0x1a: {  	s8 =	sadd.s32 $0xFFFFE003, lr  }
0x1b: {  	s9 =	sadd.s32 $0xFFFFFEF7, lr;
	s5 =	simm.s32 $0xFFFFFFFF;
	p2 =	slt.u32 s8, $0xFFFFF086  }
0x1c: {  	p1 =	slt.u32 s9, $0xF7A;
	s5 =	simm.s32 @!p2 $0x0  }
0x1d: {  	s5 =	simm.s32 @p1 $0x1;
	p0 =	seq.s32 s7, s2  }
0x1e: {  	s7 =	smul.u32 @!p0 $0xF7A, s2;
	p2 =	seq.s32 @!p0 s5, $0x0  }
0x1f: {  	s9 =	smul.u32 $0xF7A, s1;
	s8 =	simm.s32 @!p0 $0x1BF5;
	p2 =	por !p2, p0  }
0x20: {  	[sflag:s8] =	ssyncset.s32 @!p0 $0xFFFFF086;
	s6 =	sadd.s32 @!p0 s3, s7;
	s7 =	simm.s32 @!p0 $0x108  }
0x21: {  	s3 =	sadd.s32 s3, s9;
	s6 =	sadd.s32 @!p0 $0x88, s6;
	s7 =	simm.s32 @p2 $0x1082  }
0x22: {  	[simem:s7], [sflag:s8] =	dma.local @!p0 [hbm:s6], $0xF7A  }
0x23: {  	s9 =	sor.u32 $0xD0000000, s2;
	s6 =	simm.s32 $0x108;
	_ =	swait.ge @!p0 [sflag:s8], $0x0  }
0x24: {  	s3 =	sadd.s32 $0x88, s3;
	s6 =	simm.s32 @!p1 $0x1082;
	[sflag:s4] =	ssyncset.s32 $0xFFFFF086  }
0x25: {  	[simem:s6], [sflag:s4] =	dma.local [hbm:s3], $0xF7A  }
0x26: {  	[smem:$0x3F9D] =	sst s1;
	(tag) =	ssettag s2;
	_ =	strace s9  }
0x27: {  	s1 =	sld [smem:$0x3FAD]  }
0x28: {  	s2 =	sld [smem:$0x3FAE]  }
0x29: {  	s4 =	sld [smem:$0x3FB0]  }
0x2a: {  	p0 =	seq.s32 s5, $0x0;
	s5 =	sld [smem:$0x3FB1]  }
0x2b: {  	s6 =	sld [smem:$0x3FB2]  }
0x2c: {  	s7 =	sld [smem:$0x3FB3]  }
0x2d: {  	s3 =	simm.s32 $0x108;
	s8 =	sld [smem:$0x3FB4]  }
0x2e: {  	s3 =	simm.s32 @!p0 $0x1082;
	s9 =	sld [smem:$0x3FB5]  }
0x2f: {  	lr =	sadd.s32 s0, s3;
	s0 =	sld [smem:$0x3FAC]  }
0x30: {  	s3 =	sld [smem:$0x3FAF]  }
0x31: {  	[smem:$0x3FB8] =	sst s10  }
0x32: {  	s10 =	sld [smem:$0x3FB6];
	_ =	sdelay $0x3  }
0x33: {  	p0 =	seq.s32 s10, $0x1;
	s10 =	sld [smem:$0x3FB8];
	_ =	sdelay $0x3  }
0x34: {  	[smem:$0x3FB8] =	sst s10  }
0x35: {  	s10 =	sld [smem:$0x3FB7];
	_ =	sdelay $0x3  }
0x36: {  	p1 =	seq.s32 s10, $0x1;
	s10 =	sld [smem:$0x3FB8];
	_ =	sdelay $0x3  }
0x37: {  	[smem:$0x3FB8] =	sst s10  }
0x38: {  	s10 =	sld [smem:$0x3FB9]  }
0x39: {  	_ = 	snop;
	(pc) =	sbr.ind lr, $3  }
0x3a: {  	_ = 	snop  }
0x3b: {  	_ = 	snop  }
0x3c: {  	p2 =	seq.s32 s10, $0x1;
	s10 =	sld [smem:$0x3FB8]  }
0x3d: {  	_ =	shalt  }
0x3e: {  	_ =	shalt  }
0x3f: {  	_ =	shalt  }
0x40: {  	_ =	shalt  }
0x41: {  	_ =	shalt  }
0x42: {  	_ =	shalt  }
0x43: {  	_ =	shalt  }
0x44: {  	_ =	shalt  }
0x45: {  	_ =	shalt  }
0x46: {  	_ =	shalt  }
0x47: {  	_ =	shalt  }
0x48: {  	_ =	shalt  }
0x49: {  	_ =	shalt  }
0x4a: {  	_ =	shalt  }
0x4b: {  	_ =	shalt  }
0x4c: {  	_ =	shalt  }
0x4d: {  	_ =	shalt  }
0x4e: {  	_ =	shalt  }
0x4f: {  	_ =	shalt  }
0x50: {  	_ =	shalt  }
0x51: {  	_ =	shalt  }
0x52: {  	_ =	shalt  }
0x53: {  	_ =	shalt  }
0x54: {  	_ =	shalt  }
0x55: {  	_ =	shalt  }
0x56: {  	_ =	shalt  }
0x57: {  	_ =	shalt  }
0x58: {  	_ =	shalt  }
0x59: {  	_ =	shalt  }
0x5a: {  	_ =	shalt  }
0x5b: {  	_ =	shalt  }
0x5c: {  	_ =	shalt  }
0x5d: {  	_ =	shalt  }
0x5e: {  	_ =	shalt  }
0x5f: {  	_ =	shalt  }
0x60: {  	_ =	shalt  }
0x61: {  	_ =	shalt  }
0x62: {  	_ =	shalt  }
0x63: {  	_ =	shalt  }
0x64: {  	_ =	shalt  }
0x65: {  	_ =	shalt  }
0x66: {  	_ =	shalt  }
0x67: {  	_ =	shalt  }
0x68: {  	_ =	shalt  }
0x69: {  	_ =	shalt  }
0x6a: {  	_ =	shalt  }
0x6b: {  	_ =	shalt  }
0x6c: {  	_ =	shalt  }
0x6d: {  	_ =	shalt  }
0x6e: {  	_ =	shalt  }
0x6f: {  	_ =	shalt  }
0x70: {  	_ =	shalt  }
0x71: {  	_ =	shalt  }
0x72: {  	_ =	shalt  }
0x73: {  	_ =	shalt  }
0x74: {  	_ =	shalt  }
0x75: {  	_ =	shalt  }
0x76: {  	_ =	shalt  }
0x77: {  	_ =	shalt  }
0x78: {  	_ =	shalt  }
0x79: {  	_ =	shalt  }
0x7a: {  	_ =	shalt  }
0x7b: {  	_ =	shalt  }
0x7c: {  	_ =	shalt  }
0x7d: {  	_ =	shalt  }
0x7e: {  	_ =	shalt  }
0x7f: {  	_ =	shalt  }
0x80: {  	_ =	shalt  }
0x81: {  	_ =	shalt  }
0x82: {  	_ =	shalt  }
0x83: {  	_ =	shalt  }
0x84: {  	_ =	shalt  }
0x85: {  	_ =	shalt  }
0x86: {  	_ =	shalt  }
0x87: {  	_ =	shalt  }
.Lfunc_end0:
.L_simem_size_0:
called_computation_lowered:
.L_overlay_start_0:
0x88: {  	s2 =	sld [smem:$0x3FD9]  }
0x89: {  	s3 =	sld [smem:$0x3FFE];
	_ =	sdelay $0x1  }
0x8a: {  	s1 =	srdreg.scid  }
0x8b: {  	s0 =	sand.u32 $0x1, s1  }
0x8c: {  	s18 =	sshll.u32 s0, $0xA;
	s2 =	sadd.s32 s3, s2  }
0x8d: {  	s2 =	sadd.s32 s2, s18  }
0x8e: {  	[smem:$0x3FC4] =	sst s2  }
0x8f: {  	_ = 	snop  }
0x90: {  	s2 =	sld [smem:$0x3FC9]  }
0x91: {  	s19 =	sld [smem:$0x3FC8]  }
0x92: {  	s4 =	sld [smem:$0x3FC7]  }
0x93: {  	s5 =	sld [smem:$0x3FC6]  }
0x94: {  	s6 =	sld [smem:$0x3FD0];
	(tm) =	ssettm $0x1  }
0x95: {  	s7 =	sld [smem:$0x3FFB];
	_ =	sdelay $0x3  }
0x96: {  	_ =	strace s7  }
0x97: {  	s7 =	sld [smem:$0x3FFC];
	_ =	sdelay $0x3  }
0x98: {  	_ =	strace s7  }
0x99: {  	s7 =	sld [smem:$0x3FFD];
	_ =	sdelay $0x3  }
0x9a: {  	_ =	strace s7  }
0x9b: {  	_ =	strace $0x8FFFFFFF  }
0x9c: {  	s20 =	sld [smem:$0x3FDB];
	_ =	sdelay $0x1  }
0x9d: {  	s8 =	simm.s32 $_scs_section_size  }
0x9e: {  	s9 =	simm.s32 $_size__tile_overlayer_lowered;
	s10 =	simm.s32 $_tile_overlayer_lowered  }
0x9f: {  	s23 =	simm.s32 $0x1BFF;
	s22 =	sshll.u32 s10, $0x1;
	s7 =	sadd.s32 s8, s20  }
0xa0: {  	s11 =	simm.s32 $0x0;
	s21 =	sshll.u32 s9, $0x1;
	s9 =	sadd.s32 s22, s7  }
0xa1: {  	[timem:s11], [sflag:s23] =	dma.local [hbm:s9], s21  }
0xa2: {  	_ =	swait.ge [sflag:s23], s21  }
0xa3: {  	s8 =	ssub.s32 $0x0, s21;
	[sflag:s23] =	ssyncset.done $0x0  }
0xa4: {  	[sflag:s23] =	ssyncadd.s32 s8;
	_ =	sdelay $0x1  }
0xa5: {  	s24 =	simm.s32 $0x1B8B  }
0xa6: {  	_ =	swait.ge [sflag:s24], $0x1  }
0xa7: {  	[sflag:s24] =	ssyncset.done $0x0  }
0xa8: {  	s25 =	simm.s32 $0x1B8E;
	[sflag:s24] =	ssyncadd.s32 $0xFFFFFFFF  }
0xa9: {  	s26 =	simm.s32 $execute0_lowered;
	[smem:$0x3FD2] =	sst s25  }
0xaa: {  	s8 =	sshll.u32 s26, $0x1;
	_ =	strace $0x80000046;
	[dreg:$0x1] =	wrdreg $0xFFFFFFFF  }
0xab: {  	s28 =	simm.s32 $_size_execute0_lowered;
	s7 =	sadd.s32 s7, s8;
	[dreg:$0x0] =	wrdreg $0x0  }
0xac: {  	s8 =	sshll.u32 s28, $0x1;
	[dreg:$0x2] =	wrdreg s7  }
0xad: {  	[dreg:$0x3] =	wrdreg s8  }
0xae: {  	[dreg:$0x4] =	wrdreg $0xC0  }
0xaf: {  	_ =	task [dreg:s11], $0x5FFFF  }
0xb0: {  	[dreg:$0x1] =	wrdreg $0xFFFFFFFF  }
0xb1: {  	[dreg:$0x0] =	wrdreg $0x60  }
0xb2: {  	[dreg:$0x2] =	wrdreg s2  }
0xb3: {  	[dreg:$0x3] =	wrdreg s19  }
0xb4: {  	[dreg:$0x4] =	wrdreg s4  }
0xb5: {  	[dreg:$0x5] =	wrdreg s5  }
0xb6: {  	[dreg:$0x6] =	wrdreg s6  }
0xb7: {  	[dreg:$0x7] =	wrdreg $0x104000  }
0xb8: {  	[dreg:$0x8] =	wrdreg $0x9  }
0xb9: {  	_ =	task.clear_ibuf [dreg:s11], $0x9FFFF;
	_ =	strace $0x90000046  }
0xba: {  	s29 =	simm.s32 $0x9;
	_ =	strace $0x80000048  }
0xbb: {  	_ =	swait.ge [sflag:s29], $0x1  }
0xbc: {  	[sflag:s29] =	ssyncadd.s32 $0xFFFFFFFF  }
0xbd: {  	_ =	strace $0x90000048  }
0xbe: {  	_ =	sfence  }
0xbf: {  	s30 =	sld [smem:$0x0];
	_ =	sdelay $0x2  }
0xc0: {  	s31 =	sshll.u32 s1, $0xD;
	s1 =	sshrl.u32 s1, $0x2  }
0xc1: {  	s3 =	sand.u32 $0x4000, s31;
	s1 =	sadd.s32 s1, s30  }
0xc2: {  	s0 =	sor.u32 s3, s0;
	s1 =	sshll.u32 s1, $0x11  }
0xc3: {  	s0 =	sor.u32 s1, s0  }
0xc4: {  	s0 =	sadd.s32 $0x8F2B, s0  }
0xc5: {  	[sflag:s0] =	ssyncadd.remote.s32 $0x1  }
0xc6: {  	_ =	sfence.sel $0xFFFF  }
0xc7: {  	[dreg:$0x0] =	wrdreg $0xFFFFFFFF;
	(pc) =	sbr.abs _section_cstart, $3  }
0xc8: {  	[dreg:$0x1] =	wrdreg $0xFFFFFFFF  }
0xc9: {  	_ =	task.clear_ibuf [dreg:s11], $0x2FFFF;
	_ =	strace $0x9FFFFFFF  }
0xca: {  	(tm) =	ssettm $0x7FFFFFFF  }
0xcb: {  	_ =	shalt  }
tec
execute0_lowered:
.L_overlay_start_1:
0x0: {  	(tag) =	ssettag $0x1  }
0x1: {  	s5 =	rddreg [dreg:$0x0]  }
0x2: {  	s6 =	rddreg [dreg:$0x1]  }
0x3: {  	s1 =	rddreg [dreg:$0x2]  }
0x4: {  	s7 =	rddreg [dreg:$0x3]  }
0x5: {  	s8 =	rddreg [dreg:$0x4]  }
0x6: {  	s3 =	rddreg [dreg:$0x5]  }
0x7: {  	s4 =	srdreg.scid;
	s2 =	stileid.u32;
	s15 =	simm.s32 $0x1  }
0x8: {  	s16 =	simm.s32 $0x2;
	s17 =	simm.s32 $0xA0;
	s18 =	simm.s32 $0x400  }
0x9: {  	s19 =	simm.s32 $0x2A0;
	s20 =	simm.s32 $0x5400;
	s21 =	simm.s32 $0x80  }
0xa: {  	s22 =	simm.s32 $0x340;
	s23 =	simm.s32 $0xA400;
	s24 =	simm.s32 $0x40  }
0xb: {  	s28 =	simm.s32 $0x3;
	s29 =	simm.s32 $0x140;
	s30 =	simm.s32 $0x4  }
0xc: {  	s31 =	simm.s32 $0x1C0;
	s9 =	sand.u32 $0x1, s4;
	s26 =	smul.u32 $0x19000, s2  }
0xd: {  	s4 =	simm.s32 $0x0;
	s10 =	sshll.u32 s2, $0xA;
	s13 =	smul.u32 $0xC80, s2  }
0xe: {  	p0 =	sgt.u32 s2, $0x4;
	s11 =	sshll.u32 s9, $0x9;
	[smem:$0x7FF] =	sst s4  }
0xf: {  	s9 =	ssub.s32 $0x2, s9;
	s10 =	sor.u32 s11, s10;
	_ =	strace $0x80000047  }
0x10: {  	s25 =	sshrl.u32 s9, $0x1;
	s7 =	sadd.s32 s7, s13;
	s13 =	sshll.u32 @!p0 s2, $0x6  }
0x11: {  	s12 =	sshrl.u32 s10, $0x3;
	s11 =	ssub.s32 s9, s25;
	s10 =	sshll.u32 s10, $0x4  }
0x12: {  	s9 =	sshrl.u32 s26, $0x2;
	s13 =	sor.u32 @!p0 $0x1C05, s13;
	s25 =	simm.s32 $0x3C0  }
0x13: {  	s26 =	simm.s32 $0xE400;
	s5 =	sadd.s32 s5, s12;
	s14 =	sadd.s32 s9, s3  }
0x14: {  	s11 =	smax.u32 s11, $0x1;
	[dreg:$0x7] =	wrdreg s5;
	s5 =	sadd.s32 s6, s12  }
0x15: {  	s6 =	sadd.s32 s8, s10;
	s12 =	simm.s32 $0x200;
	s14 =	sshrl.u32 @!p0 s14, $0x3  }
0x16: {  	s8 =	sadd.s32 $0xA00, s6;
	s9 =	sadd.s32 $0x1400, s6;
	s10 =	sadd.s32 $0x1C00, s6  }
.LBB2_1:
0x17: {  	s0 =	rddreg [dreg:$0x7]  }
0x18: {  	[tilespmem:s4], [sflag:$0x1] =	stream.linear.gather [hbm4b:s0+s4], $0x200, $0x38;
	[tilespmem:$0x12340] =	vst v63  }
0x19: {  	_ = 	snop  }
0x1a: {  	[tilespmem:s12], [sflag:$0x2] =	stream.linear.gather [hbm4b:s5+s4], $0x200, $0x38;
	[tilespmem:$0x12340] =	vst v63  }
0x1b: {  	[spmem:s14], [sflag:s13] =	dma.local @!p0 [hbm:s7], $0xC80  }
0x1c: {  	_ =	swait.ge [sflag:s15], $0x200  }
0x1d: {  	[sflag:s15] =	ssyncset.done $0x0  }
0x1e: {  	[sflag:s15] =	ssyncadd.s32 $0xFFFFFE00  }
0x1f: {  	_ =	swait.ge [sflag:s16], $0x200  }
0x20: {  	[sflag:s16] =	ssyncset.done $0x0  }
0x21: {  	[sflag:s16] =	ssyncadd.s32 $0xFFFFFE00  }
0x22: {  	v0 =	vld [tilespmem:$0x0]  }
0x23: {  	v1 =	vld [tilespmem:$0x200]  }
0x24: {  	v2 =	vld [tilespmem:$0x10]  }
0x25: {  	v3 =	vld [tilespmem:$0x210]  }
0x26: {  	v4 =	vld [tilespmem:$0x20]  }
0x27: {  	v5 =	vld [tilespmem:$0x220]  }
0x28: {  	v6 =	vld [tilespmem:$0x30]  }
0x29: {  	v7 =	vld [tilespmem:$0x230]  }
0x2a: {  	v8 =	vld [tilespmem:$0x40]  }
0x2b: {  	v9 =	vld [tilespmem:$0x240]  }
0x2c: {  	v10 =	vld [tilespmem:$0x50]  }
0x2d: {  	v11 =	vld [tilespmem:$0x250]  }
0x2e: {  	v12 =	vld [tilespmem:$0x60]  }
0x2f: {  	v13 =	vld [tilespmem:$0x260];
	v0 =	vmul.u32 $0xC8, v0  }
0x30: {  	v14 =	vld [tilespmem:$0x70];
	v2 =	vmul.u32 $0xC8, v2  }
0x31: {  	v16 =	vld [tilespmem:$0x270];
	v15 =	vmul.u32 $0xC8, v4;
	v0 =	vadd.s32 v1, v0  }
0x32: {  	v19 =	vld [tilespmem:$0x80];
	v18 =	vmul.u32 $0xC8, v6;
	v17 =	vadd.s32 v3, v2;
	[tilespmem:$0x200] =	vst v0  }
0x33: {  	v22 =	vld [tilespmem:$0x90];
	v21 =	vmul.u32 $0xC8, v8;
	v20 =	vadd.s32 v5, v15;
	[tilespmem:$0x210] =	vst v17  }
0x34: {  	v25 =	vld [tilespmem:$0x280];
	v24 =	vmul.u32 $0xC8, v10;
	v23 =	vadd.s32 v7, v18;
	[tilespmem:$0x220] =	vst v20  }
0x35: {  	v28 =	vld [tilespmem:$0x290];
	v27 =	vmul.u32 $0xC8, v12;
	v26 =	vadd.s32 v9, v21;
	[tilespmem:$0x230] =	vst v23  }
0x36: {  	v30 =	vmul.u32 $0xC8, v14;
	v29 =	vadd.s32 v11, v24;
	[tilespmem:$0x240] =	vst v26  }
0x37: {  	v32 =	vmul.u32 $0xC8, v19;
	v31 =	vadd.s32 v13, v27;
	[tilespmem:$0x250] =	vst v29  }
0x38: {  	v34 =	vmul.u32 $0xC8, v22;
	v33 =	vadd.s32 v16, v30;
	[tilespmem:$0x260] =	vst v31  }
0x39: {  	v35 =	vadd.s32 v25, v32;
	[tilespmem:$0x270] =	vst v33  }
0x3a: {  	v36 =	vadd.s32 v28, v34;
	[tilespmem:$0x280] =	vst v35  }
0x3b: {  	[tilespmem:$0x290] =	vst v36  }
0x3c: {  	[tilespmem:s18], [sflag:$0x1] =	stream.indirect.gather [hbm4b:s1+s17], $0x80, s12, s17, $0xb8;
	[tilespmem:$0x12340] =	vst v63  }
0x3d: {  	v37 =	vld [tilespmem:$0xA0]  }
0x3e: {  	v38 =	vld [tilespmem:$0x2A0]  }
0x3f: {  	v39 =	vld [tilespmem:$0xB0]  }
0x40: {  	v40 =	vld [tilespmem:$0x2B0]  }
0x41: {  	v41 =	vld [tilespmem:$0xC0]  }
0x42: {  	v42 =	vld [tilespmem:$0x2C0]  }
0x43: {  	v43 =	vld [tilespmem:$0xD0]  }
0x44: {  	v44 =	vld [tilespmem:$0x2D0]  }
0x45: {  	v45 =	vld [tilespmem:$0xE0]  }
0x46: {  	v46 =	vld [tilespmem:$0x2E0]  }
0x47: {  	v47 =	vld [tilespmem:$0xF0]  }
0x48: {  	v48 =	vld [tilespmem:$0x2F0]  }
0x49: {  	v49 =	vld [tilespmem:$0x100]  }
0x4a: {  	v50 =	vld [tilespmem:$0x300];
	v0 =	vmul.u32 $0xC8, v37  }
0x4b: {  	v51 =	vld [tilespmem:$0x110];
	v2 =	vmul.u32 $0xC8, v39  }
0x4c: {  	v53 =	vld [tilespmem:$0x310];
	v52 =	vmul.u32 $0xC8, v41;
	v0 =	vadd.s32 v38, v0  }
0x4d: {  	v56 =	vld [tilespmem:$0x120];
	v55 =	vmul.u32 $0xC8, v43;
	v54 =	vadd.s32 v40, v2;
	[tilespmem:$0x2A0] =	vst v0  }
0x4e: {  	v59 =	vld [tilespmem:$0x130];
	v58 =	vmul.u32 $0xC8, v45;
	v57 =	vadd.s32 v42, v52;
	[tilespmem:$0x2B0] =	vst v54  }
0x4f: {  	v62 =	vld [tilespmem:$0x320];
	v61 =	vmul.u32 $0xC8, v47;
	v60 =	vadd.s32 v44, v55;
	[tilespmem:$0x2C0] =	vst v57  }
0x50: {  	v10 =	vld [tilespmem:$0x330];
	v9 =	vmul.u32 $0xC8, v49;
	v63 =	vadd.s32 v46, v58;
	[tilespmem:$0x2D0] =	vst v60  }
0x51: {  	v14 =	vmul.u32 $0xC8, v51;
	v12 =	vadd.s32 v48, v61;
	[tilespmem:$0x2E0] =	vst v63  }
0x52: {  	v16 =	vmul.u32 $0xC8, v56;
	v15 =	vadd.s32 v50, v9;
	[tilespmem:$0x2F0] =	vst v12  }
0x53: {  	v18 =	vmul.u32 $0xC8, v59;
	v17 =	vadd.s32 v53, v14;
	[tilespmem:$0x300] =	vst v15  }
0x54: {  	v19 =	vadd.s32 v62, v16;
	[tilespmem:$0x310] =	vst v17  }
0x55: {  	v20 =	vadd.s32 v10, v18;
	[tilespmem:$0x320] =	vst v19  }
0x56: {  	[tilespmem:$0x330] =	vst v20  }
0x57: {  	[tilespmem:s20], [sflag:$0x2] =	stream.indirect.gather [hbm4b:s1+s17], $0x80, s19, s17, $0xb8;
	[tilespmem:$0x12340] =	vst v63  }
0x58: {  	v21 =	vld [tilespmem:$0x140]  }
0x59: {  	v22 =	vld [tilespmem:$0x340]  }
0x5a: {  	v23 =	vld [tilespmem:$0x150]  }
0x5b: {  	v24 =	vld [tilespmem:$0x350]  }
0x5c: {  	v25 =	vld [tilespmem:$0x160]  }
0x5d: {  	v26 =	vld [tilespmem:$0x360]  }
0x5e: {  	v27 =	vld [tilespmem:$0x170]  }
0x5f: {  	v28 =	vld [tilespmem:$0x370]  }
0x60: {  	v29 =	vld [tilespmem:$0x180]  }
0x61: {  	v30 =	vld [tilespmem:$0x380]  }
0x62: {  	v31 =	vld [tilespmem:$0x190]  }
0x63: {  	v32 =	vld [tilespmem:$0x390]  }
0x64: {  	v33 =	vld [tilespmem:$0x1A0]  }
0x65: {  	v34 =	vld [tilespmem:$0x3A0]  }
0x66: {  	v35 =	vld [tilespmem:$0x1B0]  }
0x67: {  	v15 =	vld [tilespmem:$0x3B0];
	v0 =	vmul.u32 $0xC8, v21  }
0x68: {  	v16 =	vld [tilespmem:$0x1C0];
	v2 =	vmul.u32 $0xC8, v23  }
0x69: {  	v37 =	vld [tilespmem:$0x3C0];
	v36 =	vmul.u32 $0xC8, v25;
	v0 =	vadd.s32 v22, v0  }
0x6a: {  	v40 =	vld [tilespmem:$0x1D0];
	v39 =	vmul.u32 $0xC8, v27;
	v38 =	vadd.s32 v24, v2;
	[tilespmem:$0x340] =	vst v0  }
0x6b: {  	v43 =	vld [tilespmem:$0x3D0];
	v42 =	vmul.u32 $0xC8, v29;
	v41 =	vadd.s32 v26, v36;
	[tilespmem:$0x350] =	vst v38  }
0x6c: {  	v46 =	vld [tilespmem:$0x1E0];
	v45 =	vmul.u32 $0xC8, v31;
	v44 =	vadd.s32 v28, v39;
	[tilespmem:$0x360] =	vst v41  }
0x6d: {  	v49 =	vld [tilespmem:$0x1F0];
	v48 =	vmul.u32 $0xC8, v33;
	v47 =	vadd.s32 v30, v42;
	[tilespmem:$0x370] =	vst v44  }
0x6e: {  	v52 =	vld [tilespmem:$0x3E0];
	v51 =	vmul.u32 $0xC8, v35;
	v50 =	vadd.s32 v32, v45;
	[tilespmem:$0x380] =	vst v47  }
0x6f: {  	v55 =	vld [tilespmem:$0x3F0];
	v54 =	vmul.u32 $0xC8, v16;
	v53 =	vadd.s32 v34, v48;
	[tilespmem:$0x390] =	vst v50  }
0x70: {  	v57 =	vmul.u32 $0xC8, v40;
	v56 =	vadd.s32 v15, v51;
	[tilespmem:$0x3A0] =	vst v53  }
0x71: {  	v59 =	vmul.u32 $0xC8, v46;
	v58 =	vadd.s32 v37, v54;
	[tilespmem:$0x3B0] =	vst v56  }
0x72: {  	v61 =	vmul.u32 $0xC8, v49;
	v60 =	vadd.s32 v43, v57;
	[tilespmem:$0x3C0] =	vst v58  }
0x73: {  	v62 =	vadd.s32 v52, v59;
	[tilespmem:$0x3D0] =	vst v60  }
0x74: {  	v63 =	vadd.s32 v55, v61;
	[tilespmem:$0x3E0] =	vst v62  }
0x75: {  	s0 =	simm.s32 @!p0 $0x5;
	[tilespmem:$0x3F0] =	vst v63  }
0x76: {  	_ =	swait.ge @!p0 [sflag:s0], $0xC80  }
0x77: {  	[sflag:s0] =	ssyncset.done @!p0 $0x0  }
0x78: {  	[sflag:s0] =	ssyncadd.s32 @!p0 $0xFFFFF380  }
0x79: {  	[bflag:$0x0] =	sbarrier.arrive $0xFFFF  }
0x7a: {  	_ =	swait.ge [sflag:s15], $0x5000  }
0x7b: {  	[sflag:s15] =	ssyncset.done $0x0  }
0x7c: {  	[sflag:s15] =	ssyncadd.s32 $0xFFFFB000  }
0x7d: {  	[tilespmem:s18], [sflag:$0x1] =	stream.indirect.gather.add.f32 [spmem:s3], $0x80, s4, s17, $0xb8;
	[tilespmem:$0x12340] =	vst v63  }
0x7e: {  	_ = 	snop  }
0x7f: {  	[tilespmem:s23], [sflag:$0x3] =	stream.indirect.gather [hbm4b:s1+s21], $0x80, s22, s21, $0xb8;
	[tilespmem:$0x12340] =	vst v63  }
0x80: {  	_ =	swait.ge [sflag:s15], $0x5000  }
0x81: {  	[sflag:s15] =	ssyncset.done $0x0  }
0x82: {  	[sflag:s15] =	ssyncadd.s32 $0xFFFFB000  }
0x83: {  	[hbm4b:s6+s4] =	stream.linear.scatter [tilespmem:s18], [sflag:$0x1], $0x5000, $0x38;
	[tilespmem:$0x12340] =	vst v63  }
0x84: {  	_ =	swait.ge [sflag:s16], $0x5000  }
0x85: {  	[sflag:s16] =	ssyncset.done $0x0  }
0x86: {  	[sflag:s16] =	ssyncadd.s32 $0xFFFFB000  }
0x87: {  	[tilespmem:s20], [sflag:$0x2] =	stream.indirect.gather.add.f32 [spmem:s3], $0x80, s17, s17, $0xb8;
	[tilespmem:$0x12340] =	vst v63  }
0x88: {  	_ = 	snop  }
0x89: {  	[tilespmem:s26], [sflag:$0x4] =	stream.indirect.gather [hbm4b:s1+s24], $0x80, s25, s24, $0xb8;
	[tilespmem:$0x12340] =	vst v63  }
0x8a: {  	_ =	swait.ge [sflag:s16], $0x5000  }
0x8b: {  	[sflag:s16] =	ssyncset.done $0x0  }
0x8c: {  	[sflag:s16] =	ssyncadd.s32 $0xFFFFB000  }
0x8d: {  	[hbm4b:s8+s4] =	stream.linear.scatter [tilespmem:s20], [sflag:$0x2], $0x5000, $0x38;
	[tilespmem:$0x12340] =	vst v63  }
0x8e: {  	_ =	swait.ge [sflag:s28], $0x4000  }
0x8f: {  	[sflag:s28] =	ssyncset.done $0x0  }
0x90: {  	[sflag:s28] =	ssyncadd.s32 $0xFFFFC000  }
0x91: {  	[tilespmem:s23], [sflag:$0x3] =	stream.indirect.gather.add.f32 [spmem:s3], $0x80, s29, s21, $0xb8;
	[tilespmem:$0x12340] =	vst v63  }
0x92: {  	_ =	swait.ge [sflag:s28], $0x4000  }
0x93: {  	[sflag:s28] =	ssyncset.done $0x0  }
0x94: {  	[sflag:s28] =	ssyncadd.s32 $0xFFFFC000  }
0x95: {  	[hbm4b:s9+s4] =	stream.linear.scatter [tilespmem:s23], [sflag:$0x3], $0x4000, $0x38;
	[tilespmem:$0x12340] =	vst v63  }
0x96: {  	_ =	swait.ge [sflag:s30], $0x2000  }
0x97: {  	[sflag:s30] =	ssyncset.done $0x0  }
0x98: {  	[sflag:s30] =	ssyncadd.s32 $0xFFFFE000  }
0x99: {  	[tilespmem:s26], [sflag:$0x4] =	stream.indirect.gather.add.f32 [spmem:s3], $0x80, s31, s24, $0xb8;
	[tilespmem:$0x12340] =	vst v63  }
0x9a: {  	_ =	swait.ge [sflag:s30], $0x2000  }
0x9b: {  	[sflag:s30] =	ssyncset.done $0x0  }
0x9c: {  	[sflag:s30] =	ssyncadd.s32 $0xFFFFE000  }
0x9d: {  	[hbm4b:s10+s4] =	stream.linear.scatter [tilespmem:s26], [sflag:$0x4], $0x2000, $0x38;
	[tilespmem:$0x12340] =	vst v63  }
0x9e: {  	_ =	swait.ge [sflag:s15], $0x5000  }
0x9f: {  	[sflag:s15] =	ssyncset.done $0x0  }
0xa0: {  	[sflag:s15] =	ssyncadd.s32 $0xFFFFB000  }
0xa1: {  	_ =	swait.ge [sflag:s16], $0x5000  }
0xa2: {  	[sflag:s16] =	ssyncset.done $0x0  }
0xa3: {  	s11 =	sadd.s32 $0xFFFFFFFF, s11;
	[sflag:s16] =	ssyncadd.s32 $0xFFFFB000  }
0xa4: {  	p1 =	sne.s32 s11, $0x0;
	_ =	swait.ge [sflag:s28], $0x4000  }
.Ltmp0:
0xa5: {  	[sflag:s28] =	ssyncset.done $0x0;
	(pc) =	sbr.rel @p1 .LBB2_1-.Ltmp0, $4  }
0xa6: {  	[sflag:s28] =	ssyncadd.s32 $0xFFFFC000  }
0xa7: {  	_ =	swait.ge [sflag:s30], $0x2000  }
0xa8: {  	[sflag:s30] =	ssyncset.done $0x0  }
0xa9: {  	[sflag:s30] =	ssyncadd.s32 $0xFFFFE000  }
0xaa: {  	_ =	sfence.sel $0x180000  }
0xab: {  	[bflag:$0x0] =	sbarrier.arrive $0xFFFF  }
0xac: {  	_ =	strace $0x90000047  }
0xad: {  	[bflag:$0x2] =	sbarrier.arrive $0xFFFF  }
0xae: {  	p0 =	sne.s32 s2, $0x0;
	s0 =	rddreg [dreg:$0x6]  }
0xaf: {  	s0 =	sadd.s32 @!p0 $0x100000, s0  }
0xb0: {  	[sflag:s0] =	ssyncadd.tile.s32 @!p0 $0x1;
	_ =	shalt  }
.Lfunc_end2:
_tile_overlayer_lowered:
.L_overlay_start_2:
0xb1: {  	(tag) =	ssettag $0x2  }
0xb2: {  	s0 =	rddreg [dreg:$0x0];
	s2 =	stileid.u32  }
0xb3: {  	s1 =	rddreg [dreg:$0x1];
	p0 =	sne.s32 s2, $0x0  }
0xb4: {  	s3 =	rddreg [dreg:$0x2];
	[bflag:$0x3] =	sbarrier.arrive $0xFFFF;
	s2 =	simm.s32 @!p0 $0x1C06  }
0xb5: {  	[timem:s3], [sflag:s2] =	dma.local @!p0 [hbm:s0], s1  }
0xb6: {  	s0 =	simm.s32 @!p0 $0x6  }
0xb7: {  	_ =	swait.ge @!p0 [sflag:s0], s1  }
0xb8: {  	s1 =	ssub.s32 @!p0 $0x0, s1;
	[sflag:s0] =	ssyncset.done @!p0 $0x0  }
0xb9: {  	[sflag:s0] =	ssyncadd.s32 @!p0 s1  }
0xba: {  	[bflag:$0x3] =	sbarrier.arrive $0xFFFF  }
0xbb: {  	_ =	shalt  }

</sc_bundles>
